<compile_context>
chip_gen: v7x
topology: tpu7x:2x2x1
jax: 0.10.2.dev20260603
libtpu: 0.0.44.dev20260713+nightly
codegen_flags: <defaults>
</compile_context>

<pallas_src>
import functools

import jax
import jax.numpy as jnp
from jax import lax
from jax.experimental import pallas as pl
from jax.experimental.pallas import tpu as pltpu
from jax.experimental.pallas import tpu_sc as plsc

_B = 4096
_H = 64
_W = 2 * _H
_NC = 2
_NS = 16
_NW = _NC * _NS
_BPW = _B // _NW


@functools.partial(
    pl.kernel,
    mesh=plsc.VectorSubcoreMesh(core_axis_name="c", subcore_axis_name="s"),
    out_type=jax.ShapeDtypeStruct((4, _B, _W), jnp.float32),
    scratch_types=[
        pltpu.VMEM((_BPW,), jnp.int32),
        pltpu.VMEM((_BPW,), jnp.int32),
        pltpu.VMEM((_BPW,), jnp.int32),
        pltpu.VMEM((_BPW,), jnp.int32),
        pltpu.VMEM((_BPW, _W), jnp.float32),
        pltpu.VMEM((_BPW, _W), jnp.float32),
        pltpu.VMEM((_BPW, _W), jnp.float32),
        pltpu.VMEM((_BPW, _W), jnp.float32),
        pltpu.SemaphoreType.DMA,
        pltpu.SemaphoreType.DMA,
    ],
)
def _mdp_gather(i0, i1, i2, i3, P, out,
                x0, x1, x2, x3, gb0, gb1, gb2, gb3, lsem, ssem):
    wid = lax.axis_index("s") * _NC + lax.axis_index("c")
    base = wid * _BPW
    idx_hbm = (i0, i1, i2, i3)
    idx = (x0, x1, x2, x3)
    gbufs = (gb0, gb1, gb2, gb3)

    for i in range(4):
        pltpu.sync_copy(idx_hbm[i].at[pl.ds(base, _BPW)], idx[i])

    loads = []
    for i in range(4):
        loads.append(pltpu.async_copy(P.at[idx[i]], gbufs[i], lsem))
    for c in loads:
        c.wait()

    stores = []
    for i in range(4):
        stores.append(pltpu.async_copy(
            gbufs[i], out.at[i, pl.ds(base, _BPW), :], ssem))
    for c in stores:
        c.wait()


def kernel(s0, a0, s1, a1, s2, a2, s3, a3, table):
    i0 = a0.reshape(-1).astype(jnp.int32)
    i1 = a1.reshape(-1).astype(jnp.int32)
    i2 = a2.reshape(-1).astype(jnp.int32)
    i3 = a3.reshape(-1).astype(jnp.int32)
    P = jnp.pad(table, ((0, 0), (0, _W - _H)))
    G = _mdp_gather(i0, i1, i2, i3, P)
    pieces = []
    for i, s in enumerate((s0, s1, s2, s3)):
        pieces.append(s[:, None, :])
        pieces.append(G[i, :, None, :_H])
    return jnp.concatenate(pieces, axis=1)

# --- scband reference (transcript-rebuilt; emitter-appended) ---
"""Pipeline reference for scband-mdpembedding-40218073760249 (READ-ONLY COPY).

The authoritative reference and input builder live on the scoring server;
editing this copy changes nothing except your own understanding.
"""

import jax, jax.numpy as jnp
import numpy as np

B = 4096
V = 1000000  # action_space_size
H = 64       # hidden_size
PAD = V      # padding_idx


def setup_inputs(seed: int = 0) -> dict:
    key = jax.random.key(seed)
    ks = jax.random.split(key, 9)
    inp = {}
    for i in range(4):
        inp[f"s{i}"] = jax.random.normal(ks[i], (B, H), dtype=jnp.float32)
        inp[f"a{i}"] = jax.random.randint(ks[4 + i], (B, 1), 0, V).astype(jnp.int64)
    table = jax.random.normal(ks[8], (V + 1, H), dtype=jnp.float32) * 0.02
    table = table.at[PAD].set(0.0)  # padding_idx row is zeros
    inp["table"] = table
    return inp


def reference(s0, a0, s1, a1, s2, a2, s3, a3, table):
    # Faithful translation of MDPEmbedding.forward: the input list is
    # [s0, a0, s1, a1, s2, a2, s3, a3]; even indices (states) are unsqueezed
    # at dim 1, odd indices (actions) go through the embedding lookup, then
    # everything is concatenated along dim 1.
    states = [s0, s1, s2, s3]
    acts = [a0, a1, a2, a3]
    pieces = []
    for i in range(4):
        pieces.append(states[i][:, None, :])                # unsqueeze(1) -> [B,1,H]
        pieces.append(jnp.take(table, acts[i], axis=0))     # embedding    -> [B,1,H]
    return jnp.concatenate(pieces, axis=1)                  # [B, 8, H]

if __name__ == "__main__":
    import jax
    _d = setup_inputs()
    print(jax.jit(kernel)(*tuple(_d.values())))

</pallas_src>

<mosaic_0001>
#map = affine_map<(d0, d1) -> (0)>
#map1 = affine_map<(d0, d1) -> (0, 0)>
#map2 = affine_map<(d0, d1) -> (0, 0, 0)>
module attributes {stable_mosaic.version = 14 : i64} {
  func.func @_mdp_gather(%arg0: i32, %arg1: i32, %arg2: memref<4096xi32, #tpu.memory_space<hbm>>, %arg3: memref<4096xi32, #tpu.memory_space<hbm>>, %arg4: memref<4096xi32, #tpu.memory_space<hbm>>, %arg5: memref<4096xi32, #tpu.memory_space<hbm>>, %arg6: memref<1000001x128xf32, #tpu.memory_space<hbm>>, %arg7: memref<4x4096x128xf32, #tpu.memory_space<hbm>>, %arg8: memref<128xi32, #tpu.memory_space<vmem>>, %arg9: memref<128xi32, #tpu.memory_space<vmem>>, %arg10: memref<128xi32, #tpu.memory_space<vmem>>, %arg11: memref<128xi32, #tpu.memory_space<vmem>>, %arg12: memref<128x128xf32, #tpu.memory_space<vmem>>, %arg13: memref<128x128xf32, #tpu.memory_space<vmem>>, %arg14: memref<128x128xf32, #tpu.memory_space<vmem>>, %arg15: memref<128x128xf32, #tpu.memory_space<vmem>>, %arg16: memref<!tpu.dma_semaphore, #tpu.memory_space<semaphore_mem>>, %arg17: memref<!tpu.dma_semaphore, #tpu.memory_space<semaphore_mem>>) attributes {dimension_semantics = [#tpu.dimension_semantics<core_parallel>, #tpu.dimension_semantics<subcore_parallel>], iteration_bounds = array<i64: 2, 16>, scalar_prefetch = 0 : i64, scratch_operands = 10 : i64, tpu.core_type = #tpu.core_type<sc_vector_subcore>, window_params = [{transform_indices = #map}, {transform_indices = #map}, {transform_indices = #map}, {transform_indices = #map}, {transform_indices = #map1}, {transform_indices = #map2}]} {
    %mul3A = arith.constant 2 : i32
    %mul3A_0 = arith.muli %arg1, %mul3A : i32
    %add3A = arith.addi %mul3A_0, %arg0 : i32
    %mul3A_1 = arith.constant 128 : i32
    %mul3A_2 = arith.muli %add3A, %mul3A_1 : i32
    "tpu.region"() ({
      %run_scoped3A = tpu.sem_alloc : memref<!tpu.dma_semaphore, #tpu.memory_space<semaphore_mem>>
      %dma_start3A_81 = tpu.memref_slice %arg2[%mul3A_2] : memref<4096xi32, #tpu.memory_space<hbm>> -> memref<128xi32, #tpu.memory_space<hbm>>
      %dma_start3A_82 = tpu.memref_slice %arg2[%mul3A_2] : memref<4096xi32, #tpu.memory_space<hbm>> -> memref<128xi32, #tpu.memory_space<hbm>>
      tpu.enqueue_dma source(%dma_start3A_82 : memref<128xi32, #tpu.memory_space<hbm>>) target(%arg8 : memref<128xi32, #tpu.memory_space<vmem>>) target_semaphore(%run_scoped3A : memref<!tpu.dma_semaphore, #tpu.memory_space<semaphore_mem>>)
      %dma_wait3A_83 = tpu.memref_slice %arg2[%mul3A_2] : memref<4096xi32, #tpu.memory_space<hbm>> -> memref<128xi32, #tpu.memory_space<hbm>>
      %dma_wait3A_84 = tpu.memref_slice %arg2[%mul3A_2] : memref<4096xi32, #tpu.memory_space<hbm>> -> memref<128xi32, #tpu.memory_space<hbm>>
      tpu.wait_dma2 semaphore(%run_scoped3A : memref<!tpu.dma_semaphore, #tpu.memory_space<semaphore_mem>>) src(%dma_wait3A_84 : memref<128xi32, #tpu.memory_space<hbm>>) dst(%arg8 : memref<128xi32, #tpu.memory_space<vmem>>)
      tpu.yield
    }) : () -> ()
    "tpu.region"() ({
      %run_scoped3A = tpu.sem_alloc : memref<!tpu.dma_semaphore, #tpu.memory_space<semaphore_mem>>
      %dma_start3A_81 = tpu.memref_slice %arg3[%mul3A_2] : memref<4096xi32, #tpu.memory_space<hbm>> -> memref<128xi32, #tpu.memory_space<hbm>>
      %dma_start3A_82 = tpu.memref_slice %arg3[%mul3A_2] : memref<4096xi32, #tpu.memory_space<hbm>> -> memref<128xi32, #tpu.memory_space<hbm>>
      tpu.enqueue_dma source(%dma_start3A_82 : memref<128xi32, #tpu.memory_space<hbm>>) target(%arg9 : memref<128xi32, #tpu.memory_space<vmem>>) target_semaphore(%run_scoped3A : memref<!tpu.dma_semaphore, #tpu.memory_space<semaphore_mem>>)
      %dma_wait3A_83 = tpu.memref_slice %arg3[%mul3A_2] : memref<4096xi32, #tpu.memory_space<hbm>> -> memref<128xi32, #tpu.memory_space<hbm>>
      %dma_wait3A_84 = tpu.memref_slice %arg3[%mul3A_2] : memref<4096xi32, #tpu.memory_space<hbm>> -> memref<128xi32, #tpu.memory_space<hbm>>
      tpu.wait_dma2 semaphore(%run_scoped3A : memref<!tpu.dma_semaphore, #tpu.memory_space<semaphore_mem>>) src(%dma_wait3A_84 : memref<128xi32, #tpu.memory_space<hbm>>) dst(%arg9 : memref<128xi32, #tpu.memory_space<vmem>>)
      tpu.yield
    }) : () -> ()
    "tpu.region"() ({
      %run_scoped3A = tpu.sem_alloc : memref<!tpu.dma_semaphore, #tpu.memory_space<semaphore_mem>>
      %dma_start3A_81 = tpu.memref_slice %arg4[%mul3A_2] : memref<4096xi32, #tpu.memory_space<hbm>> -> memref<128xi32, #tpu.memory_space<hbm>>
      %dma_start3A_82 = tpu.memref_slice %arg4[%mul3A_2] : memref<4096xi32, #tpu.memory_space<hbm>> -> memref<128xi32, #tpu.memory_space<hbm>>
      tpu.enqueue_dma source(%dma_start3A_82 : memref<128xi32, #tpu.memory_space<hbm>>) target(%arg10 : memref<128xi32, #tpu.memory_space<vmem>>) target_semaphore(%run_scoped3A : memref<!tpu.dma_semaphore, #tpu.memory_space<semaphore_mem>>)
      %dma_wait3A_83 = tpu.memref_slice %arg4[%mul3A_2] : memref<4096xi32, #tpu.memory_space<hbm>> -> memref<128xi32, #tpu.memory_space<hbm>>
      %dma_wait3A_84 = tpu.memref_slice %arg4[%mul3A_2] : memref<4096xi32, #tpu.memory_space<hbm>> -> memref<128xi32, #tpu.memory_space<hbm>>
      tpu.wait_dma2 semaphore(%run_scoped3A : memref<!tpu.dma_semaphore, #tpu.memory_space<semaphore_mem>>) src(%dma_wait3A_84 : memref<128xi32, #tpu.memory_space<hbm>>) dst(%arg10 : memref<128xi32, #tpu.memory_space<vmem>>)
      tpu.yield
    }) : () -> ()
    "tpu.region"() ({
      %run_scoped3A = tpu.sem_alloc : memref<!tpu.dma_semaphore, #tpu.memory_space<semaphore_mem>>
      %dma_start3A_81 = tpu.memref_slice %arg5[%mul3A_2] : memref<4096xi32, #tpu.memory_space<hbm>> -> memref<128xi32, #tpu.memory_space<hbm>>
      %dma_start3A_82 = tpu.memref_slice %arg5[%mul3A_2] : memref<4096xi32, #tpu.memory_space<hbm>> -> memref<128xi32, #tpu.memory_space<hbm>>
      tpu.enqueue_dma source(%dma_start3A_82 : memref<128xi32, #tpu.memory_space<hbm>>) target(%arg11 : memref<128xi32, #tpu.memory_space<vmem>>) target_semaphore(%run_scoped3A : memref<!tpu.dma_semaphore, #tpu.memory_space<semaphore_mem>>)
      %dma_wait3A_83 = tpu.memref_slice %arg5[%mul3A_2] : memref<4096xi32, #tpu.memory_space<hbm>> -> memref<128xi32, #tpu.memory_space<hbm>>
      %dma_wait3A_84 = tpu.memref_slice %arg5[%mul3A_2] : memref<4096xi32, #tpu.memory_space<hbm>> -> memref<128xi32, #tpu.memory_space<hbm>>
      tpu.wait_dma2 semaphore(%run_scoped3A : memref<!tpu.dma_semaphore, #tpu.memory_space<semaphore_mem>>) src(%dma_wait3A_84 : memref<128xi32, #tpu.memory_space<hbm>>) dst(%arg11 : memref<128xi32, #tpu.memory_space<vmem>>)
      tpu.yield
    }) : () -> ()
    %dma_start3A = arith.constant 0 : i32
    %dma_start3A_3 = arith.constant 0 : i32
    %dma_start3A_4 = tpu.memref_slice %arg6[%dma_start3A, %dma_start3A_3] : memref<1000001x128xf32, #tpu.memory_space<hbm>> -> memref<1000001x128xf32, #tpu.memory_space<hbm>>
    tpu.enqueue_indirect_dma source(%dma_start3A_4 : memref<1000001x128xf32, #tpu.memory_space<hbm>>) target(%arg12 : memref<128x128xf32, #tpu.memory_space<vmem>>) offsets(%arg8 : memref<128xi32, #tpu.memory_space<vmem>>) semaphore(%arg16 : memref<!tpu.dma_semaphore, #tpu.memory_space<semaphore_mem>>)
    %dma_start3A_5 = arith.constant 0 : i32
    %dma_start3A_6 = arith.constant 0 : i32
    %dma_start3A_7 = tpu.memref_slice %arg6[%dma_start3A_5, %dma_start3A_6] : memref<1000001x128xf32, #tpu.memory_space<hbm>> -> memref<1000001x128xf32, #tpu.memory_space<hbm>>
    tpu.enqueue_indirect_dma source(%dma_start3A_7 : memref<1000001x128xf32, #tpu.memory_space<hbm>>) target(%arg13 : memref<128x128xf32, #tpu.memory_space<vmem>>) offsets(%arg9 : memref<128xi32, #tpu.memory_space<vmem>>) semaphore(%arg16 : memref<!tpu.dma_semaphore, #tpu.memory_space<semaphore_mem>>)
    %dma_start3A_8 = arith.constant 0 : i32
    %dma_start3A_9 = arith.constant 0 : i32
    %dma_start3A_10 = tpu.memref_slice %arg6[%dma_start3A_8, %dma_start3A_9] : memref<1000001x128xf32, #tpu.memory_space<hbm>> -> memref<1000001x128xf32, #tpu.memory_space<hbm>>
    tpu.enqueue_indirect_dma source(%dma_start3A_10 : memref<1000001x128xf32, #tpu.memory_space<hbm>>) target(%arg14 : memref<128x128xf32, #tpu.memory_space<vmem>>) offsets(%arg10 : memref<128xi32, #tpu.memory_space<vmem>>) semaphore(%arg16 : memref<!tpu.dma_semaphore, #tpu.memory_space<semaphore_mem>>)
    %dma_start3A_11 = arith.constant 0 : i32
    %dma_start3A_12 = arith.constant 0 : i32
    %dma_start3A_13 = tpu.memref_slice %arg6[%dma_start3A_11, %dma_start3A_12] : memref<1000001x128xf32, #tpu.memory_space<hbm>> -> memref<1000001x128xf32, #tpu.memory_space<hbm>>
    tpu.enqueue_indirect_dma source(%dma_start3A_13 : memref<1000001x128xf32, #tpu.memory_space<hbm>>) target(%arg15 : memref<128x128xf32, #tpu.memory_space<vmem>>) offsets(%arg11 : memref<128xi32, #tpu.memory_space<vmem>>) semaphore(%arg16 : memref<!tpu.dma_semaphore, #tpu.memory_space<semaphore_mem>>)
    %dma_wait3A = arith.constant 0 : i32
    %dma_wait3A_14 = arith.constant 0 : i32
    %dma_wait3A_15 = tpu.memref_slice %arg6[%dma_wait3A, %dma_wait3A_14] : memref<1000001x128xf32, #tpu.memory_space<hbm>> -> memref<1000001x128xf32, #tpu.memory_space<hbm>>
    tpu.wait_indirect_dma semaphore(%arg16 : memref<!tpu.dma_semaphore, #tpu.memory_space<semaphore_mem>>) src(%dma_wait3A_15 : memref<1000001x128xf32, #tpu.memory_space<hbm>>) dst(%arg12 : memref<128x128xf32, #tpu.memory_space<vmem>>)
    %dma_wait3A_16 = arith.constant 0 : i32
    %dma_wait3A_17 = arith.constant 0 : i32
    %dma_wait3A_18 = tpu.memref_slice %arg6[%dma_wait3A_16, %dma_wait3A_17] : memref<1000001x128xf32, #tpu.memory_space<hbm>> -> memref<1000001x128xf32, #tpu.memory_space<hbm>>
    tpu.wait_indirect_dma semaphore(%arg16 : memref<!tpu.dma_semaphore, #tpu.memory_space<semaphore_mem>>) src(%dma_wait3A_18 : memref<1000001x128xf32, #tpu.memory_space<hbm>>) dst(%arg13 : memref<128x128xf32, #tpu.memory_space<vmem>>)
    %dma_wait3A_19 = arith.constant 0 : i32
    %dma_wait3A_20 = arith.constant 0 : i32
    %dma_wait3A_21 = tpu.memref_slice %arg6[%dma_wait3A_19, %dma_wait3A_20] : memref<1000001x128xf32, #tpu.memory_space<hbm>> -> memref<1000001x128xf32, #tpu.memory_space<hbm>>
    tpu.wait_indirect_dma semaphore(%arg16 : memref<!tpu.dma_semaphore, #tpu.memory_space<semaphore_mem>>) src(%dma_wait3A_21 : memref<1000001x128xf32, #tpu.memory_space<hbm>>) dst(%arg14 : memref<128x128xf32, #tpu.memory_space<vmem>>)
    %dma_wait3A_22 = arith.constant 0 : i32
    %dma_wait3A_23 = arith.constant 0 : i32
    %dma_wait3A_24 = tpu.memref_slice %arg6[%dma_wait3A_22, %dma_wait3A_23] : memref<1000001x128xf32, #tpu.memory_space<hbm>> -> memref<1000001x128xf32, #tpu.memory_space<hbm>>
    tpu.wait_indirect_dma semaphore(%arg16 : memref<!tpu.dma_semaphore, #tpu.memory_space<semaphore_mem>>) src(%dma_wait3A_24 : memref<1000001x128xf32, #tpu.memory_space<hbm>>) dst(%arg15 : memref<128x128xf32, #tpu.memory_space<vmem>>)
    %dma_start3A_25 = arith.constant 0 : i32
    %dma_start3A_26 = arith.constant 0 : i32
    %dma_start3A_27 = tpu.memref_slice %arg7[%dma_start3A_25, %mul3A_2, %dma_start3A_26] : memref<4x4096x128xf32, #tpu.memory_space<hbm>> -> memref<1x128x128xf32, #tpu.memory_space<hbm>>
    %dma_start3A_28 = tpu.memref_squeeze %dma_start3A_27 : memref<1x128x128xf32, #tpu.memory_space<hbm>> -> memref<128x128xf32, #tpu.memory_space<hbm>>
    %dma_start3A_29 = arith.constant 0 : i32
    %dma_start3A_30 = tpu.memref_slice %arg7[%dma_start3A_25, %mul3A_2, %dma_start3A_29] : memref<4x4096x128xf32, #tpu.memory_space<hbm>> -> memref<1x128x128xf32, #tpu.memory_space<hbm>>
    %dma_start3A_31 = tpu.memref_squeeze %dma_start3A_30 : memref<1x128x128xf32, #tpu.memory_space<hbm>> -> memref<128x128xf32, #tpu.memory_space<hbm>>
    tpu.enqueue_dma source(%arg12 : memref<128x128xf32, #tpu.memory_space<vmem>>) target(%dma_start3A_31 : memref<128x128xf32, #tpu.memory_space<hbm>>) target_semaphore(%arg17 : memref<!tpu.dma_semaphore, #tpu.memory_space<semaphore_mem>>)
    %dma_start3A_32 = arith.constant 1 : i32
    %dma_start3A_33 = arith.constant 0 : i32
    %dma_start3A_34 = tpu.memref_slice %arg7[%dma_start3A_32, %mul3A_2, %dma_start3A_33] : memref<4x4096x128xf32, #tpu.memory_space<hbm>> -> memref<1x128x128xf32, #tpu.memory_space<hbm>>
    %dma_start3A_35 = tpu.memref_squeeze %dma_start3A_34 : memref<1x128x128xf32, #tpu.memory_space<hbm>> -> memref<128x128xf32, #tpu.memory_space<hbm>>
    %dma_start3A_36 = arith.constant 0 : i32
    %dma_start3A_37 = tpu.memref_slice %arg7[%dma_start3A_32, %mul3A_2, %dma_start3A_36] : memref<4x4096x128xf32, #tpu.memory_space<hbm>> -> memref<1x128x128xf32, #tpu.memory_space<hbm>>
    %dma_start3A_38 = tpu.memref_squeeze %dma_start3A_37 : memref<1x128x128xf32, #tpu.memory_space<hbm>> -> memref<128x128xf32, #tpu.memory_space<hbm>>
    tpu.enqueue_dma source(%arg13 : memref<128x128xf32, #tpu.memory_space<vmem>>) target(%dma_start3A_38 : memref<128x128xf32, #tpu.memory_space<hbm>>) target_semaphore(%arg17 : memref<!tpu.dma_semaphore, #tpu.memory_space<semaphore_mem>>)
    %dma_start3A_39 = arith.constant 2 : i32
    %dma_start3A_40 = arith.constant 0 : i32
    %dma_start3A_41 = tpu.memref_slice %arg7[%dma_start3A_39, %mul3A_2, %dma_start3A_40] : memref<4x4096x128xf32, #tpu.memory_space<hbm>> -> memref<1x128x128xf32, #tpu.memory_space<hbm>>
    %dma_start3A_42 = tpu.memref_squeeze %dma_start3A_41 : memref<1x128x128xf32, #tpu.memory_space<hbm>> -> memref<128x128xf32, #tpu.memory_space<hbm>>
    %dma_start3A_43 = arith.constant 0 : i32
    %dma_start3A_44 = tpu.memref_slice %arg7[%dma_start3A_39, %mul3A_2, %dma_start3A_43] : memref<4x4096x128xf32, #tpu.memory_space<hbm>> -> memref<1x128x128xf32, #tpu.memory_space<hbm>>
    %dma_start3A_45 = tpu.memref_squeeze %dma_start3A_44 : memref<1x128x128xf32, #tpu.memory_space<hbm>> -> memref<128x128xf32, #tpu.memory_space<hbm>>
    tpu.enqueue_dma source(%arg14 : memref<128x128xf32, #tpu.memory_space<vmem>>) target(%dma_start3A_45 : memref<128x128xf32, #tpu.memory_space<hbm>>) target_semaphore(%arg17 : memref<!tpu.dma_semaphore, #tpu.memory_space<semaphore_mem>>)
    %dma_start3A_46 = arith.constant 3 : i32
    %dma_start3A_47 = arith.constant 0 : i32
    %dma_start3A_48 = tpu.memref_slice %arg7[%dma_start3A_46, %mul3A_2, %dma_start3A_47] : memref<4x4096x128xf32, #tpu.memory_space<hbm>> -> memref<1x128x128xf32, #tpu.memory_space<hbm>>
    %dma_start3A_49 = tpu.memref_squeeze %dma_start3A_48 : memref<1x128x128xf32, #tpu.memory_space<hbm>> -> memref<128x128xf32, #tpu.memory_space<hbm>>
    %dma_start3A_50 = arith.constant 0 : i32
    %dma_start3A_51 = tpu.memref_slice %arg7[%dma_start3A_46, %mul3A_2, %dma_start3A_50] : memref<4x4096x128xf32, #tpu.memory_space<hbm>> -> memref<1x128x128xf32, #tpu.memory_space<hbm>>
    %dma_start3A_52 = tpu.memref_squeeze %dma_start3A_51 : memref<1x128x128xf32, #tpu.memory_space<hbm>> -> memref<128x128xf32, #tpu.memory_space<hbm>>
    tpu.enqueue_dma source(%arg15 : memref<128x128xf32, #tpu.memory_space<vmem>>) target(%dma_start3A_52 : memref<128x128xf32, #tpu.memory_space<hbm>>) target_semaphore(%arg17 : memref<!tpu.dma_semaphore, #tpu.memory_space<semaphore_mem>>)
    %dma_wait3A_53 = arith.constant 0 : i32
    %dma_wait3A_54 = arith.constant 0 : i32
    %dma_wait3A_55 = tpu.memref_slice %arg7[%dma_wait3A_53, %mul3A_2, %dma_wait3A_54] : memref<4x4096x128xf32, #tpu.memory_space<hbm>> -> memref<1x128x128xf32, #tpu.memory_space<hbm>>
    %dma_wait3A_56 = tpu.memref_squeeze %dma_wait3A_55 : memref<1x128x128xf32, #tpu.memory_space<hbm>> -> memref<128x128xf32, #tpu.memory_space<hbm>>
    %dma_wait3A_57 = arith.constant 0 : i32
    %dma_wait3A_58 = tpu.memref_slice %arg7[%dma_wait3A_53, %mul3A_2, %dma_wait3A_57] : memref<4x4096x128xf32, #tpu.memory_space<hbm>> -> memref<1x128x128xf32, #tpu.memory_space<hbm>>
    %dma_wait3A_59 = tpu.memref_squeeze %dma_wait3A_58 : memref<1x128x128xf32, #tpu.memory_space<hbm>> -> memref<128x128xf32, #tpu.memory_space<hbm>>
    tpu.wait_dma2 semaphore(%arg17 : memref<!tpu.dma_semaphore, #tpu.memory_space<semaphore_mem>>) src(%arg12 : memref<128x128xf32, #tpu.memory_space<vmem>>) dst(%dma_wait3A_59 : memref<128x128xf32, #tpu.memory_space<hbm>>)
    %dma_wait3A_60 = arith.constant 1 : i32
    %dma_wait3A_61 = arith.constant 0 : i32
    %dma_wait3A_62 = tpu.memref_slice %arg7[%dma_wait3A_60, %mul3A_2, %dma_wait3A_61] : memref<4x4096x128xf32, #tpu.memory_space<hbm>> -> memref<1x128x128xf32, #tpu.memory_space<hbm>>
    %dma_wait3A_63 = tpu.memref_squeeze %dma_wait3A_62 : memref<1x128x128xf32, #tpu.memory_space<hbm>> -> memref<128x128xf32, #tpu.memory_space<hbm>>
    %dma_wait3A_64 = arith.constant 0 : i32
    %dma_wait3A_65 = tpu.memref_slice %arg7[%dma_wait3A_60, %mul3A_2, %dma_wait3A_64] : memref<4x4096x128xf32, #tpu.memory_space<hbm>> -> memref<1x128x128xf32, #tpu.memory_space<hbm>>
    %dma_wait3A_66 = tpu.memref_squeeze %dma_wait3A_65 : memref<1x128x128xf32, #tpu.memory_space<hbm>> -> memref<128x128xf32, #tpu.memory_space<hbm>>
    tpu.wait_dma2 semaphore(%arg17 : memref<!tpu.dma_semaphore, #tpu.memory_space<semaphore_mem>>) src(%arg13 : memref<128x128xf32, #tpu.memory_space<vmem>>) dst(%dma_wait3A_66 : memref<128x128xf32, #tpu.memory_space<hbm>>)
    %dma_wait3A_67 = arith.constant 2 : i32
    %dma_wait3A_68 = arith.constant 0 : i32
    %dma_wait3A_69 = tpu.memref_slice %arg7[%dma_wait3A_67, %mul3A_2, %dma_wait3A_68] : memref<4x4096x128xf32, #tpu.memory_space<hbm>> -> memref<1x128x128xf32, #tpu.memory_space<hbm>>
    %dma_wait3A_70 = tpu.memref_squeeze %dma_wait3A_69 : memref<1x128x128xf32, #tpu.memory_space<hbm>> -> memref<128x128xf32, #tpu.memory_space<hbm>>
    %dma_wait3A_71 = arith.constant 0 : i32
    %dma_wait3A_72 = tpu.memref_slice %arg7[%dma_wait3A_67, %mul3A_2, %dma_wait3A_71] : memref<4x4096x128xf32, #tpu.memory_space<hbm>> -> memref<1x128x128xf32, #tpu.memory_space<hbm>>
    %dma_wait3A_73 = tpu.memref_squeeze %dma_wait3A_72 : memref<1x128x128xf32, #tpu.memory_space<hbm>> -> memref<128x128xf32, #tpu.memory_space<hbm>>
    tpu.wait_dma2 semaphore(%arg17 : memref<!tpu.dma_semaphore, #tpu.memory_space<semaphore_mem>>) src(%arg14 : memref<128x128xf32, #tpu.memory_space<vmem>>) dst(%dma_wait3A_73 : memref<128x128xf32, #tpu.memory_space<hbm>>)
    %dma_wait3A_74 = arith.constant 3 : i32
    %dma_wait3A_75 = arith.constant 0 : i32
    %dma_wait3A_76 = tpu.memref_slice %arg7[%dma_wait3A_74, %mul3A_2, %dma_wait3A_75] : memref<4x4096x128xf32, #tpu.memory_space<hbm>> -> memref<1x128x128xf32, #tpu.memory_space<hbm>>
    %dma_wait3A_77 = tpu.memref_squeeze %dma_wait3A_76 : memref<1x128x128xf32, #tpu.memory_space<hbm>> -> memref<128x128xf32, #tpu.memory_space<hbm>>
    %dma_wait3A_78 = arith.constant 0 : i32
    %dma_wait3A_79 = tpu.memref_slice %arg7[%dma_wait3A_74, %mul3A_2, %dma_wait3A_78] : memref<4x4096x128xf32, #tpu.memory_space<hbm>> -> memref<1x128x128xf32, #tpu.memory_space<hbm>>
    %dma_wait3A_80 = tpu.memref_squeeze %dma_wait3A_79 : memref<1x128x128xf32, #tpu.memory_space<hbm>> -> memref<128x128xf32, #tpu.memory_space<hbm>>
    tpu.wait_dma2 semaphore(%arg17 : memref<!tpu.dma_semaphore, #tpu.memory_space<semaphore_mem>>) src(%arg15 : memref<128x128xf32, #tpu.memory_space<vmem>>) dst(%dma_wait3A_80 : memref<128x128xf32, #tpu.memory_space<hbm>>)
    return
  }
}

</mosaic_0001>

<sc_bundles>
// kernel: kernel.3.cloned.1.call-start
scs
__scs_entry_jumppad:
0x0: {  	(pc) =	sbr.rel $0x88, $3  }
0x1: {  	(tag) =	ssettag $0x0;
	lr =	simm.s32 $0x1  }
0x2: {  	[smem:$0x3F98] =	sst lr;
	_ =	strace $0xD0000000  }
0x3: {  	_ = 	snop  }
0x4: {  	_ = 	snop  }
0x5: {  	_ = 	snop  }
0x6: {  	_ = 	snop  }
0x7: {  	_ = 	snop  }
__scs_overlays_trampoline_lowered:
0x8: {  	[smem:$0x3FA7] =	sst s0  }
0x9: {  	[smem:$0x3FA8] =	sst s1  }
0xa: {  	[smem:$0x3FA9] =	sst s2  }
0xb: {  	[smem:$0x3FAA] =	sst s3  }
0xc: {  	[smem:$0x3FAB] =	sst s4  }
0xd: {  	[smem:$0x3FAC] =	sst s5  }
0xe: {  	[smem:$0x3FAD] =	sst s6  }
0xf: {  	[smem:$0x3FAE] =	sst s7  }
0x10: {  	[smem:$0x3FAF] =	sst s8  }
0x11: {  	[smem:$0x3FB0] =	sst s9;
	s0 =	simm.s32 @!p0 $0x0  }
0x12: {  	s1 =	sld [smem:$0x3F96];
	s0 =	simm.s32 @p0 $0x1  }
0x13: {  	[smem:$0x3FB1] =	sst s0;
	s0 =	simm.s32 @!p1 $0x0  }
0x14: {  	s2 =	sld [smem:$0x3F95];
	s0 =	simm.s32 @p1 $0x1  }
0x15: {  	[smem:$0x3FB2] =	sst s0;
	s0 =	simm.s32 @!p2 $0x0  }
0x16: {  	s3 =	sld [smem:$0x3FDB];
	s0 =	simm.s32 @p2 $0x1  }
0x17: {  	s4 =	simm.s32 $0x1BF5;
	[smem:$0x3FB4] =	sst s0  }
0x18: {  	s0 =	sld [smem:$0x3F97];
	_ =	swait.ge [sflag:s4], $0x0  }
0x19: {  	s7 =	sld [smem:$0x3F98]  }
0x1a: {  	s8 =	sadd.s32 $0xFFFFE003, lr  }
0x1b: {  	s9 =	sadd.s32 $0xFFFFFEF7, lr;
	s5 =	simm.s32 $0xFFFFFFFF;
	p2 =	slt.u32 s8, $0xFFFFF086  }
0x1c: {  	p1 =	slt.u32 s9, $0xF7A;
	s5 =	simm.s32 @!p2 $0x0  }
0x1d: {  	s5 =	simm.s32 @p1 $0x1;
	p0 =	seq.s32 s7, s2  }
0x1e: {  	s7 =	smul.u32 @!p0 $0xF7A, s2;
	p2 =	seq.s32 @!p0 s5, $0x0  }
0x1f: {  	s9 =	smul.u32 $0xF7A, s1;
	s8 =	simm.s32 @!p0 $0x1BF5;
	p2 =	por !p2, p0  }
0x20: {  	[sflag:s8] =	ssyncset.s32 @!p0 $0xFFFFF086;
	s6 =	sadd.s32 @!p0 s3, s7;
	s7 =	simm.s32 @!p0 $0x108  }
0x21: {  	s3 =	sadd.s32 s3, s9;
	s6 =	sadd.s32 @!p0 $0x88, s6;
	s7 =	simm.s32 @p2 $0x1082  }
0x22: {  	[simem:s7], [sflag:s8] =	dma.local @!p0 [hbm:s6], $0xF7A  }
0x23: {  	s9 =	sor.u32 $0xD0000000, s2;
	s6 =	simm.s32 $0x108;
	_ =	swait.ge @!p0 [sflag:s8], $0x0  }
0x24: {  	s3 =	sadd.s32 $0x88, s3;
	s6 =	simm.s32 @!p1 $0x1082;
	[sflag:s4] =	ssyncset.s32 $0xFFFFF086  }
0x25: {  	[simem:s6], [sflag:s4] =	dma.local [hbm:s3], $0xF7A  }
0x26: {  	[smem:$0x3F98] =	sst s1;
	(tag) =	ssettag s2;
	_ =	strace s9  }
0x27: {  	s1 =	sld [smem:$0x3FA8]  }
0x28: {  	s2 =	sld [smem:$0x3FA9]  }
0x29: {  	s4 =	sld [smem:$0x3FAB]  }
0x2a: {  	p0 =	seq.s32 s5, $0x0;
	s5 =	sld [smem:$0x3FAC]  }
0x2b: {  	s6 =	sld [smem:$0x3FAD]  }
0x2c: {  	s7 =	sld [smem:$0x3FAE]  }
0x2d: {  	s3 =	simm.s32 $0x108;
	s8 =	sld [smem:$0x3FAF]  }
0x2e: {  	s3 =	simm.s32 @!p0 $0x1082;
	s9 =	sld [smem:$0x3FB0]  }
0x2f: {  	lr =	sadd.s32 s0, s3;
	s0 =	sld [smem:$0x3FA7]  }
0x30: {  	s3 =	sld [smem:$0x3FAA]  }
0x31: {  	[smem:$0x3FB3] =	sst s10  }
0x32: {  	s10 =	sld [smem:$0x3FB1];
	_ =	sdelay $0x3  }
0x33: {  	p0 =	seq.s32 s10, $0x1;
	s10 =	sld [smem:$0x3FB3];
	_ =	sdelay $0x3  }
0x34: {  	[smem:$0x3FB3] =	sst s10  }
0x35: {  	s10 =	sld [smem:$0x3FB2];
	_ =	sdelay $0x3  }
0x36: {  	p1 =	seq.s32 s10, $0x1;
	s10 =	sld [smem:$0x3FB3];
	_ =	sdelay $0x3  }
0x37: {  	[smem:$0x3FB3] =	sst s10  }
0x38: {  	s10 =	sld [smem:$0x3FB4]  }
0x39: {  	_ = 	snop;
	(pc) =	sbr.ind lr, $3  }
0x3a: {  	_ = 	snop  }
0x3b: {  	_ = 	snop  }
0x3c: {  	p2 =	seq.s32 s10, $0x1;
	s10 =	sld [smem:$0x3FB3]  }
0x3d: {  	_ =	shalt  }
0x3e: {  	_ =	shalt  }
0x3f: {  	_ =	shalt  }
0x40: {  	_ =	shalt  }
0x41: {  	_ =	shalt  }
0x42: {  	_ =	shalt  }
0x43: {  	_ =	shalt  }
0x44: {  	_ =	shalt  }
0x45: {  	_ =	shalt  }
0x46: {  	_ =	shalt  }
0x47: {  	_ =	shalt  }
0x48: {  	_ =	shalt  }
0x49: {  	_ =	shalt  }
0x4a: {  	_ =	shalt  }
0x4b: {  	_ =	shalt  }
0x4c: {  	_ =	shalt  }
0x4d: {  	_ =	shalt  }
0x4e: {  	_ =	shalt  }
0x4f: {  	_ =	shalt  }
0x50: {  	_ =	shalt  }
0x51: {  	_ =	shalt  }
0x52: {  	_ =	shalt  }
0x53: {  	_ =	shalt  }
0x54: {  	_ =	shalt  }
0x55: {  	_ =	shalt  }
0x56: {  	_ =	shalt  }
0x57: {  	_ =	shalt  }
0x58: {  	_ =	shalt  }
0x59: {  	_ =	shalt  }
0x5a: {  	_ =	shalt  }
0x5b: {  	_ =	shalt  }
0x5c: {  	_ =	shalt  }
0x5d: {  	_ =	shalt  }
0x5e: {  	_ =	shalt  }
0x5f: {  	_ =	shalt  }
0x60: {  	_ =	shalt  }
0x61: {  	_ =	shalt  }
0x62: {  	_ =	shalt  }
0x63: {  	_ =	shalt  }
0x64: {  	_ =	shalt  }
0x65: {  	_ =	shalt  }
0x66: {  	_ =	shalt  }
0x67: {  	_ =	shalt  }
0x68: {  	_ =	shalt  }
0x69: {  	_ =	shalt  }
0x6a: {  	_ =	shalt  }
0x6b: {  	_ =	shalt  }
0x6c: {  	_ =	shalt  }
0x6d: {  	_ =	shalt  }
0x6e: {  	_ =	shalt  }
0x6f: {  	_ =	shalt  }
0x70: {  	_ =	shalt  }
0x71: {  	_ =	shalt  }
0x72: {  	_ =	shalt  }
0x73: {  	_ =	shalt  }
0x74: {  	_ =	shalt  }
0x75: {  	_ =	shalt  }
0x76: {  	_ =	shalt  }
0x77: {  	_ =	shalt  }
0x78: {  	_ =	shalt  }
0x79: {  	_ =	shalt  }
0x7a: {  	_ =	shalt  }
0x7b: {  	_ =	shalt  }
0x7c: {  	_ =	shalt  }
0x7d: {  	_ =	shalt  }
0x7e: {  	_ =	shalt  }
0x7f: {  	_ =	shalt  }
0x80: {  	_ =	shalt  }
0x81: {  	_ =	shalt  }
0x82: {  	_ =	shalt  }
0x83: {  	_ =	shalt  }
0x84: {  	_ =	shalt  }
0x85: {  	_ =	shalt  }
0x86: {  	_ =	shalt  }
0x87: {  	_ =	shalt  }
.Lfunc_end0:
.L_simem_size_0:
called_computation_lowered:
.L_overlay_start_0:
0x88: {  	s2 =	sld [smem:$0x3FD9]  }
0x89: {  	s3 =	sld [smem:$0x3FFE];
	_ =	sdelay $0x1  }
0x8a: {  	s1 =	srdreg.scid  }
0x8b: {  	s0 =	sand.u32 $0x1, s1  }
0x8c: {  	s17 =	sshll.u32 s0, $0xA;
	s2 =	sadd.s32 s3, s2  }
0x8d: {  	s2 =	sadd.s32 s2, s17  }
0x8e: {  	[smem:$0x3FBF] =	sst s2  }
0x8f: {  	_ = 	snop  }
0x90: {  	s2 =	sld [smem:$0x3FC8]  }
0x91: {  	s18 =	sld [smem:$0x3FC6]  }
0x92: {  	s4 =	sld [smem:$0x3FC4]  }
0x93: {  	s5 =	sld [smem:$0x3FC2]  }
0x94: {  	s6 =	sld [smem:$0x3FD0];
	(tm) =	ssettm $0x1  }
0x95: {  	s7 =	sld [smem:$0x3FFB];
	_ =	sdelay $0x3  }
0x96: {  	_ =	strace s7  }
0x97: {  	s7 =	sld [smem:$0x3FFC];
	_ =	sdelay $0x3  }
0x98: {  	_ =	strace s7  }
0x99: {  	s7 =	sld [smem:$0x3FFD];
	_ =	sdelay $0x3  }
0x9a: {  	_ =	strace s7  }
0x9b: {  	_ =	strace $0x8FFFFFFF  }
0x9c: {  	s19 =	sld [smem:$0x3FDB];
	_ =	sdelay $0x1  }
0x9d: {  	s8 =	simm.s32 $_scs_section_size  }
0x9e: {  	s9 =	simm.s32 $_size__tile_overlayer_lowered;
	s10 =	simm.s32 $_tile_overlayer_lowered  }
0x9f: {  	s22 =	simm.s32 $0x1BFF;
	s21 =	sshll.u32 s10, $0x1;
	s7 =	sadd.s32 s8, s19  }
0xa0: {  	s11 =	simm.s32 $0x0;
	s20 =	sshll.u32 s9, $0x1;
	s9 =	sadd.s32 s21, s7  }
0xa1: {  	[timem:s11], [sflag:s22] =	dma.local [hbm:s9], s20  }
0xa2: {  	_ =	swait.ge [sflag:s22], s20  }
0xa3: {  	s8 =	ssub.s32 $0x0, s20;
	[sflag:s22] =	ssyncset.done $0x0  }
0xa4: {  	[sflag:s22] =	ssyncadd.s32 s8;
	_ =	sdelay $0x1  }
0xa5: {  	s23 =	simm.s32 $0x1B8B  }
0xa6: {  	_ =	swait.ge [sflag:s23], $0x1  }
0xa7: {  	[sflag:s23] =	ssyncset.done $0x0  }
0xa8: {  	s25 =	simm.s32 $0x1B8E;
	s24 =	sld [smem:$0x3FFE];
	[sflag:s23] =	ssyncadd.s32 $0xFFFFFFFF  }
0xa9: {  	s26 =	simm.s32 $execute0_lowered;
	[smem:$0x3FD2] =	sst s25  }
0xaa: {  	s9 =	sshll.u32 s26, $0x1;
	_ =	strace $0x80000046;
	[dreg:$0x1] =	wrdreg $0xFFFFFFFF  }
0xab: {  	s28 =	simm.s32 $_size_execute0_lowered;
	s7 =	sadd.s32 s7, s9;
	[dreg:$0x0] =	wrdreg $0x0  }
0xac: {  	s9 =	sshll.u32 s28, $0x1;
	[dreg:$0x2] =	wrdreg s7  }
0xad: {  	[dreg:$0x3] =	wrdreg s9  }
0xae: {  	[dreg:$0x4] =	wrdreg $0xC0  }
0xaf: {  	_ =	task [dreg:s11], $0x5FFFF  }
0xb0: {  	[dreg:$0x1] =	wrdreg $0xFFFFFFFF  }
0xb1: {  	[dreg:$0x0] =	wrdreg $0x60  }
0xb2: {  	[dreg:$0x2] =	wrdreg s2  }
0xb3: {  	[dreg:$0x3] =	wrdreg s18  }
0xb4: {  	[dreg:$0x4] =	wrdreg s4  }
0xb5: {  	[dreg:$0x5] =	wrdreg s5  }
0xb6: {  	[dreg:$0x6] =	wrdreg s24  }
0xb7: {  	[dreg:$0x7] =	wrdreg s6  }
0xb8: {  	[dreg:$0x8] =	wrdreg $0x9  }
0xb9: {  	_ =	task.clear_ibuf [dreg:s11], $0x9FFFF;
	_ =	strace $0x90000046  }
0xba: {  	s29 =	simm.s32 $0x9;
	_ =	strace $0x80000048  }
0xbb: {  	_ =	swait.ge [sflag:s29], $0x1  }
0xbc: {  	[sflag:s29] =	ssyncadd.s32 $0xFFFFFFFF  }
0xbd: {  	_ =	strace $0x90000048  }
0xbe: {  	_ =	sfence  }
0xbf: {  	s30 =	sld [smem:$0x0];
	_ =	sdelay $0x2  }
0xc0: {  	s31 =	sshll.u32 s1, $0xD;
	s1 =	sshrl.u32 s1, $0x2  }
0xc1: {  	s3 =	sand.u32 $0x4000, s31;
	s1 =	sadd.s32 s1, s30  }
0xc2: {  	s0 =	sor.u32 s3, s0;
	s1 =	sshll.u32 s1, $0x11  }
0xc3: {  	s0 =	sor.u32 s1, s0  }
0xc4: {  	s0 =	sadd.s32 $0x8F2B, s0  }
0xc5: {  	[sflag:s0] =	ssyncadd.remote.s32 $0x1  }
0xc6: {  	_ =	sfence.sel $0xFFFF  }
0xc7: {  	[dreg:$0x0] =	wrdreg $0xFFFFFFFF;
	(pc) =	sbr.abs _section_cstart, $3  }
0xc8: {  	[dreg:$0x1] =	wrdreg $0xFFFFFFFF  }
0xc9: {  	_ =	task.clear_ibuf [dreg:s11], $0x2FFFF;
	_ =	strace $0x9FFFFFFF  }
0xca: {  	(tm) =	ssettm $0x7FFFFFFF  }
0xcb: {  	_ =	shalt  }
tec
execute0_lowered:
.L_overlay_start_1:
0x0: {  	(tag) =	ssettag $0x1  }
0x1: {  	s3 =	rddreg [dreg:$0x0]  }
0x2: {  	s5 =	rddreg [dreg:$0x1]  }
0x3: {  	s7 =	rddreg [dreg:$0x2]  }
0x4: {  	s9 =	rddreg [dreg:$0x3];
	s1 =	srdreg.scid  }
0x5: {  	s11 =	rddreg [dreg:$0x4];
	s0 =	stileid.u32;
	s22 =	sand.u32 $0x1, s1  }
0x6: {  	s17 =	rddreg [dreg:$0x5];
	s4 =	sshll.u32 s0, $0x8;
	s6 =	sshll.u32 s22, $0x7  }
0x7: {  	s2 =	simm.s32 $0x0;
	s1 =	rddreg [dreg:$0x6];
	s18 =	sor.u32 s6, s4  }
0x8: {  	[smem:$0x7FF] =	sst s2;
	s10 =	sshrl.u32 s18, $0x3  }
0x9: {  	_ =	strace $0x80000047;
	s4 =	simm.s32 $0x3;
	s3 =	sadd.s32 s3, s10  }
0xa: {  	[tilespmem:s2], [sflag:$0x3] =	stream.linear.gather [hbm4b:s3+s2], $0x80, $0x38;
	[tilespmem:$0x10200] =	vst v63  }
0xb: {  	_ =	swait.ge [sflag:s4], $0x80  }
0xc: {  	[sflag:s4] =	ssyncset.done $0x0  }
0xd: {  	s6 =	simm.s32 $0x80;
	s5 =	sadd.s32 s5, s10;
	[sflag:s4] =	ssyncadd.s32 $0xFFFFFF80  }
0xe: {  	[tilespmem:s6], [sflag:$0x3] =	stream.linear.gather [hbm4b:s5+s2], $0x80, $0x38;
	[tilespmem:$0x10200] =	vst v63  }
0xf: {  	_ =	swait.ge [sflag:s4], $0x80  }
0x10: {  	[sflag:s4] =	ssyncset.done $0x0  }
0x11: {  	s8 =	simm.s32 $0x100;
	s7 =	sadd.s32 s7, s10;
	[sflag:s4] =	ssyncadd.s32 $0xFFFFFF80  }
0x12: {  	[tilespmem:s8], [sflag:$0x3] =	stream.linear.gather [hbm4b:s7+s2], $0x80, $0x38;
	[tilespmem:$0x10200] =	vst v63  }
0x13: {  	_ =	swait.ge [sflag:s4], $0x80  }
0x14: {  	[sflag:s4] =	ssyncset.done $0x0  }
0x15: {  	s9 =	sadd.s32 s9, s10;
	s10 =	simm.s32 $0x180;
	[sflag:s4] =	ssyncadd.s32 $0xFFFFFF80  }
0x16: {  	[tilespmem:s10], [sflag:$0x3] =	stream.linear.gather [hbm4b:s9+s2], $0x80, $0x38;
	[tilespmem:$0x10200] =	vst v63  }
0x17: {  	_ =	swait.ge [sflag:s4], $0x80  }
0x18: {  	[sflag:s4] =	ssyncset.done $0x0  }
0x19: {  	s12 =	simm.s32 $0x200;
	s11 =	sadd.s32 $0xF43A00, s11;
	[sflag:s4] =	ssyncadd.s32 $0xFFFFFF80  }
0x1a: {  	[tilespmem:s12], [sflag:$0x1] =	stream.indirect.gather [hbm4b:s11+s6], $0x80, s2, s6, $0xb8;
	[tilespmem:$0x10200] =	vst v63  }
0x1b: {  	s13 =	simm.s32 $0x4200  }
0x1c: {  	[tilespmem:s13], [sflag:$0x1] =	stream.indirect.gather [hbm4b:s11+s6], $0x80, s6, s6, $0xb8;
	[tilespmem:$0x10200] =	vst v63  }
0x1d: {  	s14 =	simm.s32 $0x8200  }
0x1e: {  	[tilespmem:s14], [sflag:$0x1] =	stream.indirect.gather [hbm4b:s11+s6], $0x80, s8, s6, $0xb8;
	[tilespmem:$0x10200] =	vst v63  }
0x1f: {  	s15 =	simm.s32 $0xC200;
	s16 =	simm.s32 $0x1  }
0x20: {  	[tilespmem:s15], [sflag:$0x1] =	stream.indirect.gather [hbm4b:s11+s6], $0x80, s10, s6, $0xb8;
	[tilespmem:$0x10200] =	vst v63  }
0x21: {  	_ =	swait.ge [sflag:s16], $0x4000  }
0x22: {  	[sflag:s16] =	ssyncset.done $0x0  }
0x23: {  	[sflag:s16] =	ssyncadd.s32 $0xFFFFC000  }
0x24: {  	_ =	swait.ge [sflag:s16], $0x4000  }
0x25: {  	[sflag:s16] =	ssyncset.done $0x0  }
0x26: {  	[sflag:s16] =	ssyncadd.s32 $0xFFFFC000  }
0x27: {  	_ =	swait.ge [sflag:s16], $0x4000  }
0x28: {  	[sflag:s16] =	ssyncset.done $0x0  }
0x29: {  	[sflag:s16] =	ssyncadd.s32 $0xFFFFC000  }
0x2a: {  	_ =	swait.ge [sflag:s16], $0x4000  }
0x2b: {  	s18 =	sshll.u32 s18, $0x4;
	[sflag:s16] =	ssyncset.done $0x0  }
0x2c: {  	s17 =	sadd.s32 s17, s18;
	[sflag:s16] =	ssyncadd.s32 $0xFFFFC000  }
0x2d: {  	[hbm4b:s17+s2] =	stream.linear.scatter [tilespmem:s12], [sflag:$0x2], $0x4000, $0x38;
	[tilespmem:$0x10200] =	vst v63  }
0x2e: {  	s18 =	sadd.s32 $0x10000, s17  }
0x2f: {  	[hbm4b:s18+s2] =	stream.linear.scatter [tilespmem:s13], [sflag:$0x2], $0x4000, $0x38;
	[tilespmem:$0x10200] =	vst v63  }
0x30: {  	s19 =	sadd.s32 $0x20000, s17  }
0x31: {  	[hbm4b:s19+s2] =	stream.linear.scatter [tilespmem:s14], [sflag:$0x2], $0x4000, $0x38;
	[tilespmem:$0x10200] =	vst v63  }
0x32: {  	s20 =	simm.s32 $0x2;
	s21 =	sadd.s32 $0x30000, s17  }
0x33: {  	[hbm4b:s21+s2] =	stream.linear.scatter [tilespmem:s15], [sflag:$0x2], $0x4000, $0x38;
	[tilespmem:$0x10200] =	vst v63  }
0x34: {  	_ =	swait.ge [sflag:s20], $0x4000  }
0x35: {  	s22 =	ssub.s32 $0x2, s22;
	[sflag:s20] =	ssyncset.done $0x0  }
0x36: {  	s23 =	sshrl.u32 s22, $0x1;
	[sflag:s20] =	ssyncadd.s32 $0xFFFFC000  }
0x37: {  	s22 =	ssub.s32 s22, s23;
	_ =	swait.ge [sflag:s20], $0x4000  }
0x38: {  	s22 =	smax.u32 s22, $0x1;
	[sflag:s20] =	ssyncset.done $0x0  }
0x39: {  	p0 =	sne.s32 s22, $0x1;
	[sflag:s20] =	ssyncadd.s32 $0xFFFFC000  }
.Ltmp0:
0x3a: {  	_ =	swait.ge [sflag:s20], $0x4000;
	(pc) =	sbr.rel @!p0 .LBB2_2-.Ltmp0, $4  }
0x3b: {  	[sflag:s20] =	ssyncset.done $0x0  }
0x3c: {  	[sflag:s20] =	ssyncadd.s32 $0xFFFFC000  }
0x3d: {  	_ =	swait.ge [sflag:s20], $0x4000  }
0x3e: {  	s22 =	sadd.s32 $0xFFFFFFFF, s22;
	[sflag:s20] =	ssyncset.done $0x0  }
.LBB2_1:
0x3f: {  	p0 =	sne.s32 s22, $0x1;
	s22 =	sadd.s32 $0xFFFFFFFF, s22;
	[sflag:s20] =	ssyncadd.s32 $0xFFFFC000  }
0x40: {  	[tilespmem:s2], [sflag:$0x3] =	stream.linear.gather [hbm4b:s3+s2], $0x80, $0x38;
	[tilespmem:$0x10200] =	vst v63  }
0x41: {  	_ =	swait.ge [sflag:s4], $0x80  }
0x42: {  	[sflag:s4] =	ssyncset.done $0x0  }
0x43: {  	[sflag:s4] =	ssyncadd.s32 $0xFFFFFF80  }
0x44: {  	[tilespmem:s6], [sflag:$0x3] =	stream.linear.gather [hbm4b:s5+s2], $0x80, $0x38;
	[tilespmem:$0x10200] =	vst v63  }
0x45: {  	_ =	swait.ge [sflag:s4], $0x80  }
0x46: {  	[sflag:s4] =	ssyncset.done $0x0  }
0x47: {  	[sflag:s4] =	ssyncadd.s32 $0xFFFFFF80  }
0x48: {  	[tilespmem:s8], [sflag:$0x3] =	stream.linear.gather [hbm4b:s7+s2], $0x80, $0x38;
	[tilespmem:$0x10200] =	vst v63  }
0x49: {  	_ =	swait.ge [sflag:s4], $0x80  }
0x4a: {  	[sflag:s4] =	ssyncset.done $0x0  }
0x4b: {  	[sflag:s4] =	ssyncadd.s32 $0xFFFFFF80  }
0x4c: {  	[tilespmem:s10], [sflag:$0x3] =	stream.linear.gather [hbm4b:s9+s2], $0x80, $0x38;
	[tilespmem:$0x10200] =	vst v63  }
0x4d: {  	_ =	swait.ge [sflag:s4], $0x80  }
0x4e: {  	[sflag:s4] =	ssyncset.done $0x0  }
0x4f: {  	[sflag:s4] =	ssyncadd.s32 $0xFFFFFF80  }
0x50: {  	[tilespmem:s12], [sflag:$0x1] =	stream.indirect.gather [hbm4b:s11+s6], $0x80, s2, s6, $0xb8;
	[tilespmem:$0x10200] =	vst v63  }
0x51: {  	_ = 	snop  }
0x52: {  	[tilespmem:s13], [sflag:$0x1] =	stream.indirect.gather [hbm4b:s11+s6], $0x80, s6, s6, $0xb8;
	[tilespmem:$0x10200] =	vst v63  }
0x53: {  	_ = 	snop  }
0x54: {  	[tilespmem:s14], [sflag:$0x1] =	stream.indirect.gather [hbm4b:s11+s6], $0x80, s8, s6, $0xb8;
	[tilespmem:$0x10200] =	vst v63  }
0x55: {  	_ = 	snop  }
0x56: {  	[tilespmem:s15], [sflag:$0x1] =	stream.indirect.gather [hbm4b:s11+s6], $0x80, s10, s6, $0xb8;
	[tilespmem:$0x10200] =	vst v63  }
0x57: {  	_ =	swait.ge [sflag:s16], $0x4000  }
0x58: {  	[sflag:s16] =	ssyncset.done $0x0  }
0x59: {  	[sflag:s16] =	ssyncadd.s32 $0xFFFFC000  }
0x5a: {  	_ =	swait.ge [sflag:s16], $0x4000  }
0x5b: {  	[sflag:s16] =	ssyncset.done $0x0  }
0x5c: {  	[sflag:s16] =	ssyncadd.s32 $0xFFFFC000  }
0x5d: {  	_ =	swait.ge [sflag:s16], $0x4000  }
0x5e: {  	[sflag:s16] =	ssyncset.done $0x0  }
0x5f: {  	[sflag:s16] =	ssyncadd.s32 $0xFFFFC000  }
0x60: {  	_ =	swait.ge [sflag:s16], $0x4000  }
0x61: {  	[sflag:s16] =	ssyncset.done $0x0  }
0x62: {  	[sflag:s16] =	ssyncadd.s32 $0xFFFFC000  }
0x63: {  	[hbm4b:s17+s2] =	stream.linear.scatter [tilespmem:s12], [sflag:$0x2], $0x4000, $0x38;
	[tilespmem:$0x10200] =	vst v63  }
0x64: {  	_ = 	snop  }
0x65: {  	[hbm4b:s18+s2] =	stream.linear.scatter [tilespmem:s13], [sflag:$0x2], $0x4000, $0x38;
	[tilespmem:$0x10200] =	vst v63  }
0x66: {  	_ = 	snop  }
0x67: {  	[hbm4b:s19+s2] =	stream.linear.scatter [tilespmem:s14], [sflag:$0x2], $0x4000, $0x38;
	[tilespmem:$0x10200] =	vst v63  }
0x68: {  	_ = 	snop  }
0x69: {  	[hbm4b:s21+s2] =	stream.linear.scatter [tilespmem:s15], [sflag:$0x2], $0x4000, $0x38;
	[tilespmem:$0x10200] =	vst v63  }
0x6a: {  	_ =	swait.ge [sflag:s20], $0x4000  }
0x6b: {  	[sflag:s20] =	ssyncset.done $0x0  }
0x6c: {  	[sflag:s20] =	ssyncadd.s32 $0xFFFFC000  }
0x6d: {  	_ =	swait.ge [sflag:s20], $0x4000  }
0x6e: {  	[sflag:s20] =	ssyncset.done $0x0  }
0x6f: {  	[sflag:s20] =	ssyncadd.s32 $0xFFFFC000  }
.Ltmp1:
0x70: {  	_ =	swait.ge [sflag:s20], $0x4000;
	(pc) =	sbr.rel @p0 .LBB2_1-.Ltmp1, $4  }
0x71: {  	[sflag:s20] =	ssyncset.done $0x0  }
0x72: {  	[sflag:s20] =	ssyncadd.s32 $0xFFFFC000  }
0x73: {  	_ =	swait.ge [sflag:s20], $0x4000  }
0x74: {  	[sflag:s20] =	ssyncset.done $0x0  }
.LBB2_2:
0x75: {  	[sflag:s20] =	ssyncadd.s32 $0xFFFFC000  }
0x76: {  	_ =	sfence.sel $0x180000  }
0x77: {  	[bflag:$0x0] =	sbarrier.arrive $0xFFFF  }
0x78: {  	p0 =	sne.s32 s0, $0x0;
	_ =	strace $0x90000047  }
0x79: {  	s0 =	sadd.s32 @!p0 $0x100000, s1;
	[bflag:$0x2] =	sbarrier.arrive $0xFFFF  }
0x7a: {  	[sflag:s0] =	ssyncadd.tile.s32 @!p0 $0x1;
	_ =	shalt  }
.Lfunc_end2:
_tile_overlayer_lowered:
.L_overlay_start_2:
0x7b: {  	(tag) =	ssettag $0x2  }
0x7c: {  	s0 =	rddreg [dreg:$0x0];
	s2 =	stileid.u32  }
0x7d: {  	s1 =	rddreg [dreg:$0x1];
	p0 =	sne.s32 s2, $0x0  }
0x7e: {  	s3 =	rddreg [dreg:$0x2];
	[bflag:$0x3] =	sbarrier.arrive $0xFFFF;
	s2 =	simm.s32 @!p0 $0x1C03  }
0x7f: {  	[timem:s3], [sflag:s2] =	dma.local @!p0 [hbm:s0], s1  }
0x80: {  	s0 =	simm.s32 @!p0 $0x3  }
0x81: {  	_ =	swait.ge @!p0 [sflag:s0], s1  }
0x82: {  	s1 =	ssub.s32 @!p0 $0x0, s1;
	[sflag:s0] =	ssyncset.done @!p0 $0x0  }
0x83: {  	[sflag:s0] =	ssyncadd.s32 @!p0 s1  }
0x84: {  	[bflag:$0x3] =	sbarrier.arrive $0xFFFF  }
0x85: {  	_ =	shalt  }

</sc_bundles>
